<compile_context>
chip_gen: v7x
topology: tpu7x:2x2x1
jax: 0.10.2.dev20260603
libtpu: 0.0.44.dev20260713+nightly
codegen_flags: <defaults>
</compile_context>

<pallas_src>
import dataclasses
import functools

import jax
import jax.numpy as jnp
from jax import lax
from jax.experimental import pallas as pl
from jax.experimental.pallas import tpu as pltpu
from jax.experimental.pallas import tpu_sc as plsc

_NC = 1
_NS = 16
_NW = _NC * _NS
_L = 16
_MAGIC = 12582912.0
_BIAS = 0x4B400000


@functools.partial(jax.jit, static_argnums=(2, 3))
def _sc_lookup(t, table, n, scale):
    chunk = n // _NW
    half = chunk // 2
    mesh = plsc.VectorSubcoreMesh(
        core_axis_name="c", subcore_axis_name="s", num_cores=_NC)
    cp = pltpu.CompilerParams()
    if "needs_layout_passes" in pltpu.CompilerParams.__dataclass_fields__:
        cp = dataclasses.replace(cp, needs_layout_passes=False)

    @functools.partial(
        pl.kernel,
        out_type=jax.ShapeDtypeStruct((n,), jnp.float32),
        mesh=mesh,
        compiler_params=cp,
        scratch_types=[
            pltpu.VMEM((table.shape[0],), jnp.float32),
            pltpu.VMEM((chunk,), jnp.float32),
            pltpu.SemaphoreType.DMA,
            pltpu.SemaphoreType.DMA,
        ],
    )
    def k(t_hbm, tbl_hbm, out_hbm, tbl_v, t_v, sem0, sem1):
        wid = lax.axis_index("s") * _NC + lax.axis_index("c")
        base = wid * chunk
        cp_tbl = pltpu.async_copy(tbl_hbm, tbl_v, sem0)
        cp_t = pltpu.async_copy(t_hbm.at[pl.ds(base, chunk)], t_v, sem1)
        cp_t.wait()
        cp_tbl.wait()

        def gather_span(lo, hi):
            @plsc.parallel_loop(lo, hi, step=_L, unroll=8)
            def _(i):
                y = (t_v[pl.ds(i, _L)] * jnp.float32(scale)
                     + jnp.float32(_MAGIC))
                idx = plsc.bitcast(y, jnp.int32) - jnp.int32(_BIAS)
                t_v[pl.ds(i, _L)] = plsc.load_gather(tbl_v, [idx])

        gather_span(0, half)
        cp_o0 = pltpu.async_copy(
            t_v.at[pl.ds(0, half)], out_hbm.at[pl.ds(base, half)], sem0)
        gather_span(half, chunk)
        cp_o1 = pltpu.async_copy(
            t_v.at[pl.ds(half, half)],
            out_hbm.at[pl.ds(base + half, half)], sem1)
        cp_o0.wait()
        cp_o1.wait()

    return k(t, table)


def kernel(t, type, alpha, sigma):
    T = alpha.shape[0] - 1
    table = alpha if type == 'alpha' else sigma
    return _sc_lookup(t, table, t.shape[0], float(T))

# --- scband reference (transcript-rebuilt; emitter-appended) ---
"""Pipeline reference for scband-noise-schedule-11897059410606 (READ-ONLY COPY).

The authoritative reference and input builder live on the scoring server;
editing this copy changes nothing except your own understanding.
"""

import jax, jax.numpy as jnp
import numpy as np

NUM_TIMESTEPS = 1000
OFFSET = 1e-05


def _clip_noise_schedule(alphas2, clip_value=0.001):
    alphas2 = np.concatenate([np.ones(1), alphas2], axis=0)
    alphas_step = alphas2[1:] / alphas2[:-1]
    alphas_step = np.clip(alphas_step, a_min=clip_value, a_max=1.0)
    return np.cumprod(alphas_step, axis=0)


def setup_inputs(seed: int = 0) -> dict:
    key = jax.random.key(seed)
    T = NUM_TIMESTEPS
    # polynomial (power=2) schedule, precomputed exactly as in the torch module
    x = np.linspace(0, T + 1, T + 1)
    alpha2 = (1 - (x / T) ** 2) ** 2
    alpha2 = _clip_noise_schedule(alpha2)
    alpha2 = (1 - 2 * OFFSET) * alpha2 + OFFSET
    alpha = jnp.asarray(np.sqrt(alpha2), dtype=jnp.float32)
    sigma = jnp.asarray(np.sqrt(1 - alpha2), dtype=jnp.float32)
    # normalized timesteps t in [0, 1)
    t = jax.random.uniform(key, (16384,), dtype=jnp.float32)
    return {"t": t, "type": 0, "alpha": alpha, "sigma": sigma}


def reference(t, type, alpha, sigma):
    T = alpha.shape[0] - 1
    t_unnormalized = jnp.round(t * T).astype(jnp.int32)
    if type == 'alpha':
        return jnp.take(alpha, t_unnormalized, axis=0)
    else:
        return jnp.take(sigma, t_unnormalized, axis=0)

if __name__ == "__main__":
    import jax
    _d = setup_inputs()
    print(jax.jit(kernel)(*tuple(_d.values())))

</pallas_src>

<mosaic_0001>
#map = affine_map<(d0, d1) -> (0)>
module attributes {stable_mosaic.version = 14 : i64} {
  func.func @k(%arg0: i32, %arg1: i32, %arg2: memref<16384xf32, #tpu.memory_space<hbm>>, %arg3: memref<1001xf32, #tpu.memory_space<hbm>>, %arg4: memref<16384xf32, #tpu.memory_space<hbm>>, %arg5: memref<1001xf32, #tpu.memory_space<vmem>>, %arg6: memref<1024xf32, #tpu.memory_space<vmem>>, %arg7: memref<!tpu.dma_semaphore, #tpu.memory_space<semaphore_mem>>, %arg8: memref<!tpu.dma_semaphore, #tpu.memory_space<semaphore_mem>>) attributes {dimension_semantics = [#tpu.dimension_semantics<core_parallel>, #tpu.dimension_semantics<subcore_parallel>], iteration_bounds = array<i64: 1, 16>, scalar_prefetch = 0 : i64, scratch_operands = 4 : i64, tpu.core_type = #tpu.core_type<sc_vector_subcore>, window_params = [{transform_indices = #map}, {transform_indices = #map}, {transform_indices = #map}]} {
    %mul3A = arith.constant 1 : i32
    %mul3A_0 = arith.muli %arg1, %mul3A : i32
    %add3A = arith.addi %mul3A_0, %arg0 : i32
    %mul3A_1 = arith.constant 1024 : i32
    %mul3A_2 = arith.muli %add3A, %mul3A_1 : i32
    tpu.enqueue_dma source(%arg3 : memref<1001xf32, #tpu.memory_space<hbm>>) target(%arg5 : memref<1001xf32, #tpu.memory_space<vmem>>) target_semaphore(%arg7 : memref<!tpu.dma_semaphore, #tpu.memory_space<semaphore_mem>>)
    %dma_start3A = tpu.memref_slice %arg2[%mul3A_2] : memref<16384xf32, #tpu.memory_space<hbm>> -> memref<1024xf32, #tpu.memory_space<hbm>>
    %dma_start3A_3 = tpu.memref_slice %arg2[%mul3A_2] : memref<16384xf32, #tpu.memory_space<hbm>> -> memref<1024xf32, #tpu.memory_space<hbm>>
    tpu.enqueue_dma source(%dma_start3A_3 : memref<1024xf32, #tpu.memory_space<hbm>>) target(%arg6 : memref<1024xf32, #tpu.memory_space<vmem>>) target_semaphore(%arg8 : memref<!tpu.dma_semaphore, #tpu.memory_space<semaphore_mem>>)
    %dma_wait3A = tpu.memref_slice %arg2[%mul3A_2] : memref<16384xf32, #tpu.memory_space<hbm>> -> memref<1024xf32, #tpu.memory_space<hbm>>
    %dma_wait3A_4 = tpu.memref_slice %arg2[%mul3A_2] : memref<16384xf32, #tpu.memory_space<hbm>> -> memref<1024xf32, #tpu.memory_space<hbm>>
    tpu.wait_dma2 semaphore(%arg8 : memref<!tpu.dma_semaphore, #tpu.memory_space<semaphore_mem>>) src(%dma_wait3A_4 : memref<1024xf32, #tpu.memory_space<hbm>>) dst(%arg6 : memref<1024xf32, #tpu.memory_space<vmem>>)
    tpu.wait_dma2 semaphore(%arg7 : memref<!tpu.dma_semaphore, #tpu.memory_space<semaphore_mem>>) src(%arg3 : memref<1001xf32, #tpu.memory_space<hbm>>) dst(%arg5 : memref<1001xf32, #tpu.memory_space<vmem>>)
    %parallel_loop3A = arith.constant 0 : i32
    %parallel_loop3A_5 = arith.constant 512 : i32
    %parallel_loop3A_6 = arith.constant 16 : i32
    scf.for %parallel_loop3A_36 = %parallel_loop3A to %parallel_loop3A_5 step %parallel_loop3A_6  : i32 {
      %parallel_loop3A_37 = arith.index_cast %parallel_loop3A_36 : i32 to index
      %parallel_loop3A_38 = tpu.vector_load %arg6[%parallel_loop3A_37] {strides = array<i32>} : memref<1024xf32, #tpu.memory_space<vmem>>, vector<16xf32>,
      %parallel_loop3A_39 = arith.constant 1.000000e+03 : f32
      %parallel_loop3A_40 = vector.broadcast %parallel_loop3A_39 : f32 to vector<16xf32>
      %parallel_loop3A_41 = arith.mulf %parallel_loop3A_38, %parallel_loop3A_40 : vector<16xf32>
      %parallel_loop3A_42 = arith.constant 0x4B400000 : f32
      %parallel_loop3A_43 = vector.broadcast %parallel_loop3A_42 : f32 to vector<16xf32>
      %parallel_loop3A_44 = arith.addf %parallel_loop3A_41, %parallel_loop3A_43 : vector<16xf32>
      %parallel_loop3A_45 = vector.bitcast %parallel_loop3A_44 : vector<16xf32> to vector<16xi32>
      %parallel_loop3A_46 = arith.constant 1262485504 : i32
      %parallel_loop3A_47 = vector.broadcast %parallel_loop3A_46 : i32 to vector<16xi32>
      %parallel_loop3A_48 = arith.subi %parallel_loop3A_45, %parallel_loop3A_47 : vector<16xi32>
      %parallel_loop3A_49 = tpu.vector_load_idx %arg5[%parallel_loop3A_48] : memref<1001xf32, #tpu.memory_space<vmem>>[vector<16xi32>], vector<16xf32>,
      %parallel_loop3A_50 = arith.index_cast %parallel_loop3A_36 : i32 to index
      %parallel_loop3A_51 = tpu.vector_load %arg6[%parallel_loop3A_50] {strides = array<i32>} : memref<1024xf32, #tpu.memory_space<vmem>>, vector<16xf32>,
      tpu.vector_store %arg6[%parallel_loop3A_50], %parallel_loop3A_49 {strides = array<i32>} : memref<1024xf32, #tpu.memory_space<vmem>>, vector<16xf32>,
    } {sc.loop_unroll_factor = 8 : i64, sc.parallel_access}
    %dma_start3A_7 = arith.constant 0 : i32
    %dma_start3A_8 = tpu.memref_slice %arg6[%dma_start3A_7] : memref<1024xf32, #tpu.memory_space<vmem>> -> memref<512xf32, #tpu.memory_space<vmem>>
    %dma_start3A_9 = tpu.memref_slice %arg4[%mul3A_2] : memref<16384xf32, #tpu.memory_space<hbm>> -> memref<512xf32, #tpu.memory_space<hbm>>
    %dma_start3A_10 = tpu.memref_slice %arg4[%mul3A_2] : memref<16384xf32, #tpu.memory_space<hbm>> -> memref<512xf32, #tpu.memory_space<hbm>>
    %dma_start3A_11 = arith.constant 0 : i32
    %dma_start3A_12 = tpu.memref_slice %arg6[%dma_start3A_11] : memref<1024xf32, #tpu.memory_space<vmem>> -> memref<512xf32, #tpu.memory_space<vmem>>
    tpu.enqueue_dma source(%dma_start3A_12 : memref<512xf32, #tpu.memory_space<vmem>>) target(%dma_start3A_10 : memref<512xf32, #tpu.memory_space<hbm>>) target_semaphore(%arg7 : memref<!tpu.dma_semaphore, #tpu.memory_space<semaphore_mem>>)
    %parallel_loop3A_13 = arith.constant 512 : i32
    %parallel_loop3A_14 = arith.constant 1024 : i32
    %parallel_loop3A_15 = arith.constant 16 : i32
    scf.for %parallel_loop3A_36 = %parallel_loop3A_13 to %parallel_loop3A_14 step %parallel_loop3A_15  : i32 {
      %parallel_loop3A_37 = arith.index_cast %parallel_loop3A_36 : i32 to index
      %parallel_loop3A_38 = tpu.vector_load %arg6[%parallel_loop3A_37] {strides = array<i32>} : memref<1024xf32, #tpu.memory_space<vmem>>, vector<16xf32>,
      %parallel_loop3A_39 = arith.constant 1.000000e+03 : f32
      %parallel_loop3A_40 = vector.broadcast %parallel_loop3A_39 : f32 to vector<16xf32>
      %parallel_loop3A_41 = arith.mulf %parallel_loop3A_38, %parallel_loop3A_40 : vector<16xf32>
      %parallel_loop3A_42 = arith.constant 0x4B400000 : f32
      %parallel_loop3A_43 = vector.broadcast %parallel_loop3A_42 : f32 to vector<16xf32>
      %parallel_loop3A_44 = arith.addf %parallel_loop3A_41, %parallel_loop3A_43 : vector<16xf32>
      %parallel_loop3A_45 = vector.bitcast %parallel_loop3A_44 : vector<16xf32> to vector<16xi32>
      %parallel_loop3A_46 = arith.constant 1262485504 : i32
      %parallel_loop3A_47 = vector.broadcast %parallel_loop3A_46 : i32 to vector<16xi32>
      %parallel_loop3A_48 = arith.subi %parallel_loop3A_45, %parallel_loop3A_47 : vector<16xi32>
      %parallel_loop3A_49 = tpu.vector_load_idx %arg5[%parallel_loop3A_48] : memref<1001xf32, #tpu.memory_space<vmem>>[vector<16xi32>], vector<16xf32>,
      %parallel_loop3A_50 = arith.index_cast %parallel_loop3A_36 : i32 to index
      %parallel_loop3A_51 = tpu.vector_load %arg6[%parallel_loop3A_50] {strides = array<i32>} : memref<1024xf32, #tpu.memory_space<vmem>>, vector<16xf32>,
      tpu.vector_store %arg6[%parallel_loop3A_50], %parallel_loop3A_49 {strides = array<i32>} : memref<1024xf32, #tpu.memory_space<vmem>>, vector<16xf32>,
    } {sc.loop_unroll_factor = 8 : i64, sc.parallel_access}
    %add3A_16 = arith.constant 512 : i32
    %add3A_17 = arith.addi %mul3A_2, %add3A_16 : i32
    %dma_start3A_18 = arith.constant 512 : i32
    %dma_start3A_19 = tpu.memref_slice %arg6[%dma_start3A_18] : memref<1024xf32, #tpu.memory_space<vmem>> -> memref<512xf32, #tpu.memory_space<vmem>>
    %dma_start3A_20 = tpu.memref_slice %arg4[%add3A_17] : memref<16384xf32, #tpu.memory_space<hbm>> -> memref<512xf32, #tpu.memory_space<hbm>>
    %dma_start3A_21 = tpu.memref_slice %arg4[%add3A_17] : memref<16384xf32, #tpu.memory_space<hbm>> -> memref<512xf32, #tpu.memory_space<hbm>>
    %dma_start3A_22 = arith.constant 512 : i32
    %dma_start3A_23 = tpu.memref_slice %arg6[%dma_start3A_22] : memref<1024xf32, #tpu.memory_space<vmem>> -> memref<512xf32, #tpu.memory_space<vmem>>
    tpu.enqueue_dma source(%dma_start3A_23 : memref<512xf32, #tpu.memory_space<vmem>>) target(%dma_start3A_21 : memref<512xf32, #tpu.memory_space<hbm>>) target_semaphore(%arg8 : memref<!tpu.dma_semaphore, #tpu.memory_space<semaphore_mem>>)
    %dma_wait3A_24 = arith.constant 0 : i32
    %dma_wait3A_25 = tpu.memref_slice %arg6[%dma_wait3A_24] : memref<1024xf32, #tpu.memory_space<vmem>> -> memref<512xf32, #tpu.memory_space<vmem>>
    %dma_wait3A_26 = tpu.memref_slice %arg4[%mul3A_2] : memref<16384xf32, #tpu.memory_space<hbm>> -> memref<512xf32, #tpu.memory_space<hbm>>
    %dma_wait3A_27 = tpu.memref_slice %arg4[%mul3A_2] : memref<16384xf32, #tpu.memory_space<hbm>> -> memref<512xf32, #tpu.memory_space<hbm>>
    %dma_wait3A_28 = arith.constant 0 : i32
    %dma_wait3A_29 = tpu.memref_slice %arg6[%dma_wait3A_28] : memref<1024xf32, #tpu.memory_space<vmem>> -> memref<512xf32, #tpu.memory_space<vmem>>
    tpu.wait_dma2 semaphore(%arg7 : memref<!tpu.dma_semaphore, #tpu.memory_space<semaphore_mem>>) src(%dma_wait3A_29 : memref<512xf32, #tpu.memory_space<vmem>>) dst(%dma_wait3A_27 : memref<512xf32, #tpu.memory_space<hbm>>)
    %dma_wait3A_30 = arith.constant 512 : i32
    %dma_wait3A_31 = tpu.memref_slice %arg6[%dma_wait3A_30] : memref<1024xf32, #tpu.memory_space<vmem>> -> memref<512xf32, #tpu.memory_space<vmem>>
    %dma_wait3A_32 = tpu.memref_slice %arg4[%add3A_17] : memref<16384xf32, #tpu.memory_space<hbm>> -> memref<512xf32, #tpu.memory_space<hbm>>
    %dma_wait3A_33 = tpu.memref_slice %arg4[%add3A_17] : memref<16384xf32, #tpu.memory_space<hbm>> -> memref<512xf32, #tpu.memory_space<hbm>>
    %dma_wait3A_34 = arith.constant 512 : i32
    %dma_wait3A_35 = tpu.memref_slice %arg6[%dma_wait3A_34] : memref<1024xf32, #tpu.memory_space<vmem>> -> memref<512xf32, #tpu.memory_space<vmem>>
    tpu.wait_dma2 semaphore(%arg8 : memref<!tpu.dma_semaphore, #tpu.memory_space<semaphore_mem>>) src(%dma_wait3A_35 : memref<512xf32, #tpu.memory_space<vmem>>) dst(%dma_wait3A_33 : memref<512xf32, #tpu.memory_space<hbm>>)
    return
  }
}

</mosaic_0001>

<sc_bundles>
// kernel: _sc_lookup.3.cloned.1.call-start
scs
__scs_entry_jumppad:
0x0: {  	(pc) =	sbr.rel $0x88, $3  }
0x1: {  	(tag) =	ssettag $0x0;
	lr =	simm.s32 $0x1  }
0x2: {  	[smem:$0x3F9F] =	sst lr;
	_ =	strace $0xD0000000  }
0x3: {  	_ = 	snop  }
0x4: {  	_ = 	snop  }
0x5: {  	_ = 	snop  }
0x6: {  	_ = 	snop  }
0x7: {  	_ = 	snop  }
__scs_overlays_trampoline_lowered:
0x8: {  	[smem:$0x3FAE] =	sst s0  }
0x9: {  	[smem:$0x3FAF] =	sst s1  }
0xa: {  	[smem:$0x3FB0] =	sst s2  }
0xb: {  	[smem:$0x3FB1] =	sst s3  }
0xc: {  	[smem:$0x3FB2] =	sst s4  }
0xd: {  	[smem:$0x3FB3] =	sst s5  }
0xe: {  	[smem:$0x3FB4] =	sst s6  }
0xf: {  	[smem:$0x3FB5] =	sst s7  }
0x10: {  	[smem:$0x3FB6] =	sst s8  }
0x11: {  	[smem:$0x3FB7] =	sst s9;
	s0 =	simm.s32 @!p0 $0x0  }
0x12: {  	s1 =	sld [smem:$0x3F9D];
	s0 =	simm.s32 @p0 $0x1  }
0x13: {  	[smem:$0x3FB8] =	sst s0;
	s0 =	simm.s32 @!p1 $0x0  }
0x14: {  	s2 =	sld [smem:$0x3F9C];
	s0 =	simm.s32 @p1 $0x1  }
0x15: {  	[smem:$0x3FB9] =	sst s0;
	s0 =	simm.s32 @!p2 $0x0  }
0x16: {  	s3 =	sld [smem:$0x3FDB];
	s0 =	simm.s32 @p2 $0x1  }
0x17: {  	s4 =	simm.s32 $0x1BF5;
	[smem:$0x3FBB] =	sst s0  }
0x18: {  	s0 =	sld [smem:$0x3F9E];
	_ =	swait.ge [sflag:s4], $0x0  }
0x19: {  	s7 =	sld [smem:$0x3F9F]  }
0x1a: {  	s8 =	sadd.s32 $0xFFFFE003, lr  }
0x1b: {  	s9 =	sadd.s32 $0xFFFFFEF7, lr;
	s5 =	simm.s32 $0xFFFFFFFF;
	p2 =	slt.u32 s8, $0xFFFFF086  }
0x1c: {  	p1 =	slt.u32 s9, $0xF7A;
	s5 =	simm.s32 @!p2 $0x0  }
0x1d: {  	s5 =	simm.s32 @p1 $0x1;
	p0 =	seq.s32 s7, s2  }
0x1e: {  	s7 =	smul.u32 @!p0 $0xF7A, s2;
	p2 =	seq.s32 @!p0 s5, $0x0  }
0x1f: {  	s9 =	smul.u32 $0xF7A, s1;
	s8 =	simm.s32 @!p0 $0x1BF5;
	p2 =	por !p2, p0  }
0x20: {  	[sflag:s8] =	ssyncset.s32 @!p0 $0xFFFFF086;
	s6 =	sadd.s32 @!p0 s3, s7;
	s7 =	simm.s32 @!p0 $0x108  }
0x21: {  	s3 =	sadd.s32 s3, s9;
	s6 =	sadd.s32 @!p0 $0x88, s6;
	s7 =	simm.s32 @p2 $0x1082  }
0x22: {  	[simem:s7], [sflag:s8] =	dma.local @!p0 [hbm:s6], $0xF7A  }
0x23: {  	s9 =	sor.u32 $0xD0000000, s2;
	s6 =	simm.s32 $0x108;
	_ =	swait.ge @!p0 [sflag:s8], $0x0  }
0x24: {  	s3 =	sadd.s32 $0x88, s3;
	s6 =	simm.s32 @!p1 $0x1082;
	[sflag:s4] =	ssyncset.s32 $0xFFFFF086  }
0x25: {  	[simem:s6], [sflag:s4] =	dma.local [hbm:s3], $0xF7A  }
0x26: {  	[smem:$0x3F9F] =	sst s1;
	(tag) =	ssettag s2;
	_ =	strace s9  }
0x27: {  	s1 =	sld [smem:$0x3FAF]  }
0x28: {  	s2 =	sld [smem:$0x3FB0]  }
0x29: {  	s4 =	sld [smem:$0x3FB2]  }
0x2a: {  	p0 =	seq.s32 s5, $0x0;
	s5 =	sld [smem:$0x3FB3]  }
0x2b: {  	s6 =	sld [smem:$0x3FB4]  }
0x2c: {  	s7 =	sld [smem:$0x3FB5]  }
0x2d: {  	s3 =	simm.s32 $0x108;
	s8 =	sld [smem:$0x3FB6]  }
0x2e: {  	s3 =	simm.s32 @!p0 $0x1082;
	s9 =	sld [smem:$0x3FB7]  }
0x2f: {  	lr =	sadd.s32 s0, s3;
	s0 =	sld [smem:$0x3FAE]  }
0x30: {  	s3 =	sld [smem:$0x3FB1]  }
0x31: {  	[smem:$0x3FBA] =	sst s10  }
0x32: {  	s10 =	sld [smem:$0x3FB8];
	_ =	sdelay $0x3  }
0x33: {  	p0 =	seq.s32 s10, $0x1;
	s10 =	sld [smem:$0x3FBA];
	_ =	sdelay $0x3  }
0x34: {  	[smem:$0x3FBA] =	sst s10  }
0x35: {  	s10 =	sld [smem:$0x3FB9];
	_ =	sdelay $0x3  }
0x36: {  	p1 =	seq.s32 s10, $0x1;
	s10 =	sld [smem:$0x3FBA];
	_ =	sdelay $0x3  }
0x37: {  	[smem:$0x3FBA] =	sst s10  }
0x38: {  	s10 =	sld [smem:$0x3FBB]  }
0x39: {  	_ = 	snop;
	(pc) =	sbr.ind lr, $3  }
0x3a: {  	_ = 	snop  }
0x3b: {  	_ = 	snop  }
0x3c: {  	p2 =	seq.s32 s10, $0x1;
	s10 =	sld [smem:$0x3FBA]  }
0x3d: {  	_ =	shalt  }
0x3e: {  	_ =	shalt  }
0x3f: {  	_ =	shalt  }
0x40: {  	_ =	shalt  }
0x41: {  	_ =	shalt  }
0x42: {  	_ =	shalt  }
0x43: {  	_ =	shalt  }
0x44: {  	_ =	shalt  }
0x45: {  	_ =	shalt  }
0x46: {  	_ =	shalt  }
0x47: {  	_ =	shalt  }
0x48: {  	_ =	shalt  }
0x49: {  	_ =	shalt  }
0x4a: {  	_ =	shalt  }
0x4b: {  	_ =	shalt  }
0x4c: {  	_ =	shalt  }
0x4d: {  	_ =	shalt  }
0x4e: {  	_ =	shalt  }
0x4f: {  	_ =	shalt  }
0x50: {  	_ =	shalt  }
0x51: {  	_ =	shalt  }
0x52: {  	_ =	shalt  }
0x53: {  	_ =	shalt  }
0x54: {  	_ =	shalt  }
0x55: {  	_ =	shalt  }
0x56: {  	_ =	shalt  }
0x57: {  	_ =	shalt  }
0x58: {  	_ =	shalt  }
0x59: {  	_ =	shalt  }
0x5a: {  	_ =	shalt  }
0x5b: {  	_ =	shalt  }
0x5c: {  	_ =	shalt  }
0x5d: {  	_ =	shalt  }
0x5e: {  	_ =	shalt  }
0x5f: {  	_ =	shalt  }
0x60: {  	_ =	shalt  }
0x61: {  	_ =	shalt  }
0x62: {  	_ =	shalt  }
0x63: {  	_ =	shalt  }
0x64: {  	_ =	shalt  }
0x65: {  	_ =	shalt  }
0x66: {  	_ =	shalt  }
0x67: {  	_ =	shalt  }
0x68: {  	_ =	shalt  }
0x69: {  	_ =	shalt  }
0x6a: {  	_ =	shalt  }
0x6b: {  	_ =	shalt  }
0x6c: {  	_ =	shalt  }
0x6d: {  	_ =	shalt  }
0x6e: {  	_ =	shalt  }
0x6f: {  	_ =	shalt  }
0x70: {  	_ =	shalt  }
0x71: {  	_ =	shalt  }
0x72: {  	_ =	shalt  }
0x73: {  	_ =	shalt  }
0x74: {  	_ =	shalt  }
0x75: {  	_ =	shalt  }
0x76: {  	_ =	shalt  }
0x77: {  	_ =	shalt  }
0x78: {  	_ =	shalt  }
0x79: {  	_ =	shalt  }
0x7a: {  	_ =	shalt  }
0x7b: {  	_ =	shalt  }
0x7c: {  	_ =	shalt  }
0x7d: {  	_ =	shalt  }
0x7e: {  	_ =	shalt  }
0x7f: {  	_ =	shalt  }
0x80: {  	_ =	shalt  }
0x81: {  	_ =	shalt  }
0x82: {  	_ =	shalt  }
0x83: {  	_ =	shalt  }
0x84: {  	_ =	shalt  }
0x85: {  	_ =	shalt  }
0x86: {  	_ =	shalt  }
0x87: {  	_ =	shalt  }
.Lfunc_end0:
.L_simem_size_0:
called_computation_lowered:
.L_overlay_start_0:
0x88: {  	s0 =	sld [smem:$0x3FD9]  }
0x89: {  	s1 =	sld [smem:$0x3FFE];
	_ =	sdelay $0x3  }
0x8a: {  	s0 =	sadd.s32 s1, s0  }
0x8b: {  	[smem:$0x3FC6] =	sst s0  }
0x8c: {  	_ = 	snop  }
0x8d: {  	s0 =	sld [smem:$0x3FC9]  }
0x8e: {  	s17 =	sld [smem:$0x3FC8]  }
0x8f: {  	s2 =	sld [smem:$0x3FD0];
	(tm) =	ssettm $0x1  }
0x90: {  	s3 =	sld [smem:$0x3FFB];
	_ =	sdelay $0x3  }
0x91: {  	_ =	strace s3  }
0x92: {  	s3 =	sld [smem:$0x3FFC];
	_ =	sdelay $0x3  }
0x93: {  	_ =	strace s3  }
0x94: {  	s3 =	sld [smem:$0x3FFD];
	_ =	sdelay $0x3  }
0x95: {  	_ =	strace s3  }
0x96: {  	_ =	strace $0x8FFFFFFF  }
0x97: {  	s18 =	sld [smem:$0x3FDB];
	_ =	sdelay $0x1  }
0x98: {  	s4 =	simm.s32 $_scs_section_size  }
0x99: {  	s5 =	simm.s32 $_size__tile_overlayer_lowered;
	s6 =	simm.s32 $_tile_overlayer_lowered  }
0x9a: {  	s21 =	simm.s32 $0x1BFF;
	s20 =	sshll.u32 s6, $0x1;
	s3 =	sadd.s32 s4, s18  }
0x9b: {  	s7 =	simm.s32 $0x0;
	s19 =	sshll.u32 s5, $0x1;
	s5 =	sadd.s32 s20, s3  }
0x9c: {  	[timem:s7], [sflag:s21] =	dma.local [hbm:s5], s19  }
0x9d: {  	_ =	swait.ge [sflag:s21], s19  }
0x9e: {  	s4 =	ssub.s32 $0x0, s19;
	[sflag:s21] =	ssyncset.done $0x0  }
0x9f: {  	[sflag:s21] =	ssyncadd.s32 s4;
	_ =	sdelay $0x1  }
0xa0: {  	s22 =	simm.s32 $0x1B8B  }
0xa1: {  	_ =	swait.ge [sflag:s22], $0x1  }
0xa2: {  	[sflag:s22] =	ssyncset.done $0x0  }
0xa3: {  	s23 =	simm.s32 $0x1B8E;
	[sflag:s22] =	ssyncadd.s32 $0xFFFFFFFF  }
0xa4: {  	s24 =	simm.s32 $execute0_lowered;
	[smem:$0x3FD2] =	sst s23  }
0xa5: {  	s4 =	sshll.u32 s24, $0x1;
	_ =	strace $0x80000046;
	[dreg:$0x1] =	wrdreg $0xFFFFFFFF  }
0xa6: {  	s25 =	simm.s32 $_size_execute0_lowered;
	s3 =	sadd.s32 s3, s4;
	[dreg:$0x0] =	wrdreg $0x0  }
0xa7: {  	s4 =	sshll.u32 s25, $0x1;
	[dreg:$0x2] =	wrdreg s3  }
0xa8: {  	[dreg:$0x3] =	wrdreg s4  }
0xa9: {  	[dreg:$0x4] =	wrdreg $0xC0  }
0xaa: {  	_ =	task [dreg:s7], $0x5FFFF  }
0xab: {  	[dreg:$0x1] =	wrdreg $0xFFFFFFFF  }
0xac: {  	[dreg:$0x0] =	wrdreg $0x60  }
0xad: {  	[dreg:$0x2] =	wrdreg s0  }
0xae: {  	[dreg:$0x3] =	wrdreg s17  }
0xaf: {  	[dreg:$0x4] =	wrdreg s2  }
0xb0: {  	[dreg:$0x5] =	wrdreg $0x9  }
0xb1: {  	_ =	task.clear_ibuf [dreg:s7], $0x6FFFF;
	_ =	strace $0x90000046  }
0xb2: {  	s26 =	simm.s32 $0x9;
	_ =	strace $0x80000048  }
0xb3: {  	_ =	swait.ge [sflag:s26], $0x1  }
0xb4: {  	[sflag:s26] =	ssyncadd.s32 $0xFFFFFFFF  }
0xb5: {  	_ =	strace $0x90000048  }
0xb6: {  	_ =	sfence  }
0xb7: {  	s28 =	sld [smem:$0x0];
	_ =	sdelay $0x1  }
0xb8: {  	s29 =	srdreg.scid  }
0xb9: {  	s30 =	sshll.u32 s29, $0xD;
	s31 =	sshrl.u32 s29, $0x2  }
0xba: {  	s1 =	sand.u32 $0x1, s29;
	s2 =	sand.u32 $0x4000, s30;
	s0 =	sadd.s32 s31, s28  }
0xbb: {  	s1 =	sor.u32 s2, s1;
	s0 =	sshll.u32 s0, $0x11  }
0xbc: {  	s0 =	sor.u32 s0, s1  }
0xbd: {  	s0 =	sadd.s32 $0x8F2B, s0  }
0xbe: {  	[sflag:s0] =	ssyncadd.remote.s32 $0x1  }
0xbf: {  	_ =	sfence.sel $0xFFFF  }
0xc0: {  	[dreg:$0x0] =	wrdreg $0xFFFFFFFF;
	(pc) =	sbr.abs _section_cstart, $3  }
0xc1: {  	[dreg:$0x1] =	wrdreg $0xFFFFFFFF  }
0xc2: {  	_ =	task.clear_ibuf [dreg:s7], $0x2FFFF;
	_ =	strace $0x9FFFFFFF  }
0xc3: {  	(tm) =	ssettm $0x7FFFFFFF  }
tec
execute0_lowered:
.L_overlay_start_1:
0x0: {  	(tag) =	ssettag $0x1  }
0x1: {  	s5 =	rddreg [dreg:$0x0]  }
0x2: {  	s6 =	rddreg [dreg:$0x1]  }
0x3: {  	s2 =	rddreg [dreg:$0x2];
	s4 =	simm.s32 $0x0  }
0x4: {  	s1 =	stileid.u32;
	[smem:$0x7FF] =	sst s4  }
0x5: {  	s0 =	rddreg [dreg:$0x3];
	s3 =	sshll.u32 s1, $0x7;
	_ =	strace $0x80000047  }
0x6: {  	[tilespmem:s4], [sflag:$0x1] =	stream.linear.gather [hbm4b:s6+s4], $0x400, $0x38;
	[tilespmem:$0x800] =	vst v63  }
0x7: {  	s29 =	simm.s32 $0x400;
	s30 =	simm.s32 $0x2;
	s5 =	sadd.s32 s5, s3  }
0x8: {  	[tilespmem:s29], [sflag:$0x2] =	stream.linear.gather [hbm4b:s5+s4], $0x400, $0x38;
	[tilespmem:$0x800] =	vst v63  }
0x9: {  	_ =	swait.ge [sflag:s30], $0x400  }
0xa: {  	[sflag:s30] =	ssyncset.done $0x0  }
0xb: {  	s31 =	simm.s32 $0x1;
	[sflag:s30] =	ssyncadd.s32 $0xFFFFFC00  }
0xc: {  	_ =	swait.ge [sflag:s31], $0x400  }
0xd: {  	[sflag:s31] =	ssyncset.done $0x0  }
0xe: {  	s5 =	simm.s32 $0x440;
	[sflag:s31] =	ssyncadd.s32 $0xFFFFFC00  }
0xf: {  	v0 =	vld [tilespmem:s5+$0x30]  }
0x10: {  	v1 =	vld [tilespmem:s5+$0xFFFFFFD0]  }
0x11: {  	v2 =	vld [tilespmem:s5+$0xFFFFFFE0]  }
0x12: {  	v3 =	vld [tilespmem:s5+$0xFFFFFFF0]  }
0x13: {  	v4 =	vld [tilespmem:s5+$0xFFFFFFC0]  }
0x14: {  	v5 =	vld [tilespmem:s5+$0x0]  }
0x15: {  	v6 =	vld [tilespmem:s5+$0x10]  }
0x16: {  	v7 =	vld [tilespmem:s5+$0x20]  }
0x17: {  	s6 =	simm.s32 $0x4C0;
	v0 =	vmul.f32 $1.000000000e+03, v0  }
0x18: {  	v8 =	vld [tilespmem:s6+$0x30];
	v1 =	vmul.f32 $1.000000000e+03, v1;
	v4 =	vmul.f32 $1.000000000e+03, v4  }
0x19: {  	v9 =	vld [tilespmem:s6+$0xFFFFFFD0];
	v2 =	vmul.f32 $1.000000000e+03, v2;
	v3 =	vmul.f32 $1.000000000e+03, v3;
	v0 =	vadd.f32 $1.258291200e+07, v0  }
0x1a: {  	v10 =	vld [tilespmem:s6+$0xFFFFFFE0];
	v5 =	vmul.f32 $1.000000000e+03, v5;
	v6 =	vmul.f32 $1.000000000e+03, v6;
	v1 =	vadd.f32 $1.258291200e+07, v1  }
0x1b: {  	v11 =	vld [tilespmem:s6+$0xFFFFFFF0];
	v7 =	vmul.f32 $1.000000000e+03, v7;
	v4 =	vadd.f32 $1.258291200e+07, v4;
	v0 =	vadd.s32 $0xB4C00000, v0  }
0x1c: {  	v12 =	vld [tilespmem:s6+$0x0];
	v2 =	vadd.f32 $1.258291200e+07, v2;
	v3 =	vadd.f32 $1.258291200e+07, v3;
	v1 =	vadd.s32 $0xB4C00000, v1  }
0x1d: {  	v13 =	vld [tilespmem:s6+$0x10];
	v8 =	vmul.f32 $1.000000000e+03, v8;
	v5 =	vadd.f32 $1.258291200e+07, v5;
	v4 =	vadd.s32 $0xB4C00000, v4  }
0x1e: {  	v16 =	vld [tilespmem:s6+$0xFFFFFFC0];
	v6 =	vadd.f32 $1.258291200e+07, v6;
	v2 =	vadd.s32 $0xB4C00000, v2;
	v3 =	vadd.s32 $0xB4C00000, v3  }
0x1f: {  	v14 =	vadd.s32 $0xB4C00000, v5;
	v5 =	vadd.f32 $1.258291200e+07, v7;
	v7 =	vmul.f32 $1.000000000e+03, v9;
	v9 =	vld [tilespmem:s6+$0x20]  }
0x20: {  	v0 =	vld.idx.msk [tilespmem:v0+s4+$0x0], $0xffff  }
0x21: {  	v15 =	vadd.s32 $0xB4C00000, v6;
	v6 =	vadd.f32 $1.258291200e+07, v8;
	v1 =	vld.idx.msk [tilespmem:v1+s4+$0x0], $0xffff  }
0x22: {  	v8 =	vadd.s32 $0xB4C00000, v5;
	v5 =	vadd.f32 $1.258291200e+07, v7;
	v4 =	vld.idx.msk [tilespmem:v4+s4+$0x0], $0xffff  }
0x23: {  	v7 =	vmul.f32 $1.000000000e+03, v10;
	v10 =	vadd.s32 $0xB4C00000, v6;
	v17 =	vld.idx.msk [tilespmem:v2+s4+$0x0], $0xffff  }
0x24: {  	v61 =	vadd.s32 $0xB4C00000, v5;
	v2 =	vmul.f32 $1.000000000e+03, v11;
	v11 =	vmul.f32 $1.000000000e+03, v12;
	v5 =	vld.idx.msk [tilespmem:v3+s4+$0x0], $0xffff  }
0x25: {  	v13 =	vmul.f32 $1.000000000e+03, v13;
	v3 =	vadd.f32 $1.258291200e+07, v7;
	v9 =	vmul.f32 $1.000000000e+03, v9;
	v6 =	vld.idx.msk [tilespmem:v14+s4+$0x0], $0xffff  }
0x26: {  	v62 =	vmul.f32 $1.000000000e+03, v16;
	v7 =	vld.idx.msk [tilespmem:v15+s4+$0x0], $0xffff;
	v11 =	vadd.f32 $1.258291200e+07, v11;
	[tilespmem:s5+$0x30] =	vst v0;
	v0 =	vadd.f32 $1.258291200e+07, v2  }
0x27: {  	v13 =	vadd.f32 $1.258291200e+07, v13;
	v63 =	vadd.f32 $1.258291200e+07, v9;
	v8 =	vld.idx.msk [tilespmem:v8+s4+$0x0], $0xffff;
	[tilespmem:s5+$0xFFFFFFD0] =	vst v1  }
0x28: {  	v9 =	vld.idx.msk [tilespmem:v10+s4+$0x0], $0xffff;
	[tilespmem:s5+$0xFFFFFFC0] =	vst v4;
	v2 =	vadd.s32 $0xB4C00000, v0;
	v0 =	vadd.s32 $0xB4C00000, v11;
	v11 =	vadd.f32 $1.258291200e+07, v62  }
0x29: {  	s7 =	simm.s32 $0x80;
	s8 =	simm.s32 $0x540;
	v10 =	vld.idx.msk [tilespmem:v61+s4+$0x0], $0xffff;
	v1 =	vadd.s32 $0xB4C00000, v3;
	v3 =	vadd.s32 $0xB4C00000, v13;
	v4 =	vadd.s32 $0xB4C00000, v63;
	[tilespmem:s5+$0xFFFFFFE0] =	vst v17  }
.LBB2_1:
0x2a: {  	v12 =	vld [tilespmem:s8+$0x30];
	s7 =	sadd.s32 $0x80, s7;
	v11 =	vadd.s32 $0xB4C00000, v11;
	[tilespmem:s5+$0xFFFFFFF0] =	vst v5  }
0x2b: {  	v5 =	vld [tilespmem:s8+$0xFFFFFFD0];
	p0 =	slt.u32 s7, $0x180;
	[tilespmem:s5+$0x0] =	vst v6  }
0x2c: {  	v6 =	vld [tilespmem:s8+$0xFFFFFFE0];
	[tilespmem:s5+$0x10] =	vst v7  }
0x2d: {  	v7 =	vld [tilespmem:s8+$0xFFFFFFF0];
	[tilespmem:s5+$0x20] =	vst v8;
	s5 =	smov.u32 s6;
	s6 =	smov.u32 s8  }
0x2e: {  	v8 =	vld [tilespmem:s8+$0x0];
	[tilespmem:s5+$0x30] =	vst v9  }
0x2f: {  	v9 =	vld [tilespmem:s8+$0x10];
	v12 =	vmul.f32 $1.000000000e+03, v12;
	[tilespmem:s5+$0xFFFFFFD0] =	vst v10  }
0x30: {  	v5 =	vmul.f32 $1.000000000e+03, v5;
	v10 =	vld [tilespmem:s8+$0x20]  }
0x31: {  	v13 =	vld [tilespmem:s8+$0xFFFFFFC0];
	v6 =	vmul.f32 $1.000000000e+03, v6;
	v12 =	vadd.f32 $1.258291200e+07, v12  }
0x32: {  	v5 =	vadd.f32 $1.258291200e+07, v5;
	v7 =	vmul.f32 $1.000000000e+03, v7;
	v14 =	vld.idx.msk [tilespmem:v11+s4+$0x0], $0xffff  }
0x33: {  	v6 =	vadd.f32 $1.258291200e+07, v6;
	v8 =	vmul.f32 $1.000000000e+03, v8;
	v12 =	vadd.s32 $0xB4C00000, v12;
	v15 =	vld.idx.msk [tilespmem:v1+s4+$0x0], $0xffff  }
0x34: {  	v16 =	vadd.s32 $0xB4C00000, v5;
	v7 =	vadd.f32 $1.258291200e+07, v7;
	v9 =	vmul.f32 $1.000000000e+03, v9;
	v5 =	vld.idx.msk [tilespmem:v2+s4+$0x0], $0xffff  }
.Ltmp0:
0x35: {  	v1 =	vadd.s32 $0xB4C00000, v6;
	v8 =	vadd.f32 $1.258291200e+07, v8;
	v10 =	vmul.f32 $1.000000000e+03, v10;
	v6 =	vld.idx.msk [tilespmem:v0+s4+$0x0], $0xffff;
	(pc) =	sbr.rel @p0 .LBB2_1-.Ltmp0, $4  }
0x36: {  	v11 =	vmul.f32 $1.000000000e+03, v13;
	v2 =	vadd.s32 $0xB4C00000, v7;
	v9 =	vadd.f32 $1.258291200e+07, v9;
	v7 =	vld.idx.msk [tilespmem:v3+s4+$0x0], $0xffff  }
0x37: {  	v0 =	vadd.s32 $0xB4C00000, v8;
	v13 =	vadd.f32 $1.258291200e+07, v10;
	v8 =	vld.idx.msk [tilespmem:v4+s4+$0x0], $0xffff  }
0x38: {  	v11 =	vadd.f32 $1.258291200e+07, v11;
	v3 =	vadd.s32 $0xB4C00000, v9;
	v9 =	vld.idx.msk [tilespmem:v12+s4+$0x0], $0xffff;
	[tilespmem:s5+$0xFFFFFFC0] =	vst v14  }
0x39: {  	s8 =	sadd.s32 $0x80, s8;
	v10 =	vld.idx.msk [tilespmem:v16+s4+$0x0], $0xffff;
	v4 =	vadd.s32 $0xB4C00000, v13;
	[tilespmem:s5+$0xFFFFFFE0] =	vst v15  }
0x3a: {  	_ =	sdelay $0x2  }
0x3b: {  	[tilespmem:s5+$0xFFFFFFF0] =	vst v5  }
0x3c: {  	v11 =	vadd.s32 $0xB4C00000, v11;
	[tilespmem:s5+$0x0] =	vst v6;
	v1 =	vld.idx.msk [tilespmem:v1+s4+$0x0], $0xffff  }
0x3d: {  	v2 =	vld.idx.msk [tilespmem:v2+s4+$0x0], $0xffff;
	[tilespmem:s5+$0x10] =	vst v7  }
0x3e: {  	v0 =	vld.idx.msk [tilespmem:v0+s4+$0x0], $0xffff;
	[tilespmem:s5+$0x20] =	vst v8  }
0x3f: {  	v3 =	vld.idx.msk [tilespmem:v3+s4+$0x0], $0xffff;
	[tilespmem:s6+$0x30] =	vst v9  }
0x40: {  	v4 =	vld.idx.msk [tilespmem:v4+s4+$0x0], $0xffff;
	[tilespmem:s6+$0xFFFFFFD0] =	vst v10  }
0x41: {  	v5 =	vld.idx.msk [tilespmem:v11+s4+$0x0], $0xffff;
	[tilespmem:s6+$0xFFFFFFE0] =	vst v1  }
0x42: {  	[tilespmem:s6+$0xFFFFFFF0] =	vst v2  }
0x43: {  	[tilespmem:s6+$0x0] =	vst v0  }
0x44: {  	[tilespmem:s6+$0x10] =	vst v3  }
0x45: {  	s30 =	sadd.s32 s2, s3;
	[tilespmem:s6+$0x20] =	vst v4  }
0x46: {  	s31 =	simm.s32 $0x400;
	s5 =	simm.s32 $0x670;
	s4 =	simm.s32 $0x0;
	[tilespmem:s6+$0xFFFFFFC0] =	vst v5  }
0x47: {  	[hbm4b:s30+s4] =	stream.linear.scatter [tilespmem:s31], [sflag:$0x1], $0x200, $0x38;
	[tilespmem:$0x800] =	vst v63  }
0x48: {  	v0 =	vld [tilespmem:s5+$0x0]  }
0x49: {  	v1 =	vld [tilespmem:s5+$0xFFFFFFA0]  }
0x4a: {  	v2 =	vld [tilespmem:s5+$0xFFFFFFB0]  }
0x4b: {  	v3 =	vld [tilespmem:s5+$0xFFFFFFC0]  }
0x4c: {  	v4 =	vld [tilespmem:s5+$0xFFFFFF90]  }
0x4d: {  	v5 =	vld [tilespmem:s5+$0xFFFFFFD0]  }
0x4e: {  	v6 =	vld [tilespmem:s5+$0xFFFFFFE0]  }
0x4f: {  	v7 =	vld [tilespmem:s5+$0xFFFFFFF0]  }
0x50: {  	s6 =	simm.s32 $0x6F0;
	v0 =	vmul.f32 $1.000000000e+03, v0  }
0x51: {  	v8 =	vld [tilespmem:s6+$0x0];
	v1 =	vmul.f32 $1.000000000e+03, v1;
	v4 =	vmul.f32 $1.000000000e+03, v4  }
0x52: {  	v9 =	vld [tilespmem:s6+$0xFFFFFFA0];
	v2 =	vmul.f32 $1.000000000e+03, v2;
	v3 =	vmul.f32 $1.000000000e+03, v3;
	v0 =	vadd.f32 $1.258291200e+07, v0  }
0x53: {  	v10 =	vld [tilespmem:s6+$0xFFFFFFB0];
	v5 =	vmul.f32 $1.000000000e+03, v5;
	v6 =	vmul.f32 $1.000000000e+03, v6;
	v1 =	vadd.f32 $1.258291200e+07, v1  }
0x54: {  	v11 =	vld [tilespmem:s6+$0xFFFFFFC0];
	v7 =	vmul.f32 $1.000000000e+03, v7;
	v4 =	vadd.f32 $1.258291200e+07, v4;
	v0 =	vadd.s32 $0xB4C00000, v0  }
0x55: {  	v12 =	vld [tilespmem:s6+$0xFFFFFFD0];
	v2 =	vadd.f32 $1.258291200e+07, v2;
	v3 =	vadd.f32 $1.258291200e+07, v3;
	v1 =	vadd.s32 $0xB4C00000, v1  }
0x56: {  	v13 =	vld [tilespmem:s6+$0xFFFFFFE0];
	v8 =	vmul.f32 $1.000000000e+03, v8;
	v5 =	vadd.f32 $1.258291200e+07, v5;
	v4 =	vadd.s32 $0xB4C00000, v4  }
0x57: {  	v16 =	vld [tilespmem:s6+$0xFFFFFF90];
	v6 =	vadd.f32 $1.258291200e+07, v6;
	v2 =	vadd.s32 $0xB4C00000, v2;
	v3 =	vadd.s32 $0xB4C00000, v3  }
0x58: {  	v14 =	vadd.s32 $0xB4C00000, v5;
	v5 =	vadd.f32 $1.258291200e+07, v7;
	v7 =	vmul.f32 $1.000000000e+03, v9;
	v9 =	vld [tilespmem:s6+$0xFFFFFFF0]  }
0x59: {  	v0 =	vld.idx.msk [tilespmem:v0+s4+$0x0], $0xffff  }
0x5a: {  	v15 =	vadd.s32 $0xB4C00000, v6;
	v6 =	vadd.f32 $1.258291200e+07, v8;
	v1 =	vld.idx.msk [tilespmem:v1+s4+$0x0], $0xffff  }
0x5b: {  	v8 =	vadd.s32 $0xB4C00000, v5;
	v5 =	vadd.f32 $1.258291200e+07, v7;
	v4 =	vld.idx.msk [tilespmem:v4+s4+$0x0], $0xffff  }
0x5c: {  	v7 =	vmul.f32 $1.000000000e+03, v10;
	v10 =	vadd.s32 $0xB4C00000, v6;
	v17 =	vld.idx.msk [tilespmem:v2+s4+$0x0], $0xffff  }
0x5d: {  	v61 =	vadd.s32 $0xB4C00000, v5;
	v2 =	vmul.f32 $1.000000000e+03, v11;
	v11 =	vmul.f32 $1.000000000e+03, v12;
	v5 =	vld.idx.msk [tilespmem:v3+s4+$0x0], $0xffff  }
0x5e: {  	v13 =	vmul.f32 $1.000000000e+03, v13;
	v3 =	vadd.f32 $1.258291200e+07, v7;
	v9 =	vmul.f32 $1.000000000e+03, v9;
	v6 =	vld.idx.msk [tilespmem:v14+s4+$0x0], $0xffff  }
0x5f: {  	v62 =	vmul.f32 $1.000000000e+03, v16;
	v7 =	vld.idx.msk [tilespmem:v15+s4+$0x0], $0xffff;
	v11 =	vadd.f32 $1.258291200e+07, v11;
	[tilespmem:s5+$0x0] =	vst v0;
	v0 =	vadd.f32 $1.258291200e+07, v2  }
0x60: {  	v13 =	vadd.f32 $1.258291200e+07, v13;
	v63 =	vadd.f32 $1.258291200e+07, v9;
	v8 =	vld.idx.msk [tilespmem:v8+s4+$0x0], $0xffff;
	[tilespmem:s5+$0xFFFFFFA0] =	vst v1  }
0x61: {  	v9 =	vld.idx.msk [tilespmem:v10+s4+$0x0], $0xffff;
	[tilespmem:s5+$0xFFFFFF90] =	vst v4;
	v2 =	vadd.s32 $0xB4C00000, v0;
	v0 =	vadd.s32 $0xB4C00000, v11;
	v11 =	vadd.f32 $1.258291200e+07, v62  }
0x62: {  	s7 =	simm.s32 $0x280;
	s8 =	simm.s32 $0x770;
	v10 =	vld.idx.msk [tilespmem:v61+s4+$0x0], $0xffff;
	v1 =	vadd.s32 $0xB4C00000, v3;
	v3 =	vadd.s32 $0xB4C00000, v13;
	v4 =	vadd.s32 $0xB4C00000, v63;
	[tilespmem:s5+$0xFFFFFFB0] =	vst v17  }
.LBB2_3:
0x63: {  	v12 =	vld [tilespmem:s8+$0x0];
	s7 =	sadd.s32 $0x80, s7;
	v11 =	vadd.s32 $0xB4C00000, v11;
	[tilespmem:s5+$0xFFFFFFC0] =	vst v5  }
0x64: {  	v5 =	vld [tilespmem:s8+$0xFFFFFFA0];
	p0 =	slt.u32 s7, $0x380;
	[tilespmem:s5+$0xFFFFFFD0] =	vst v6  }
0x65: {  	v6 =	vld [tilespmem:s8+$0xFFFFFFB0];
	[tilespmem:s5+$0xFFFFFFE0] =	vst v7  }
0x66: {  	v7 =	vld [tilespmem:s8+$0xFFFFFFC0];
	[tilespmem:s5+$0xFFFFFFF0] =	vst v8;
	s5 =	smov.u32 s6;
	s6 =	smov.u32 s8  }
0x67: {  	v8 =	vld [tilespmem:s8+$0xFFFFFFD0];
	[tilespmem:s5+$0x0] =	vst v9  }
0x68: {  	v9 =	vld [tilespmem:s8+$0xFFFFFFE0];
	v12 =	vmul.f32 $1.000000000e+03, v12;
	[tilespmem:s5+$0xFFFFFFA0] =	vst v10  }
0x69: {  	v5 =	vmul.f32 $1.000000000e+03, v5;
	v10 =	vld [tilespmem:s8+$0xFFFFFFF0]  }
0x6a: {  	v13 =	vld [tilespmem:s8+$0xFFFFFF90];
	v6 =	vmul.f32 $1.000000000e+03, v6;
	v12 =	vadd.f32 $1.258291200e+07, v12  }
0x6b: {  	v5 =	vadd.f32 $1.258291200e+07, v5;
	v7 =	vmul.f32 $1.000000000e+03, v7;
	v14 =	vld.idx.msk [tilespmem:v11+s4+$0x0], $0xffff  }
0x6c: {  	v6 =	vadd.f32 $1.258291200e+07, v6;
	v8 =	vmul.f32 $1.000000000e+03, v8;
	v12 =	vadd.s32 $0xB4C00000, v12;
	v15 =	vld.idx.msk [tilespmem:v1+s4+$0x0], $0xffff  }
0x6d: {  	v16 =	vadd.s32 $0xB4C00000, v5;
	v7 =	vadd.f32 $1.258291200e+07, v7;
	v9 =	vmul.f32 $1.000000000e+03, v9;
	v5 =	vld.idx.msk [tilespmem:v2+s4+$0x0], $0xffff  }
.Ltmp1:
0x6e: {  	v1 =	vadd.s32 $0xB4C00000, v6;
	v8 =	vadd.f32 $1.258291200e+07, v8;
	v10 =	vmul.f32 $1.000000000e+03, v10;
	v6 =	vld.idx.msk [tilespmem:v0+s4+$0x0], $0xffff;
	(pc) =	sbr.rel @p0 .LBB2_3-.Ltmp1, $4  }
0x6f: {  	v11 =	vmul.f32 $1.000000000e+03, v13;
	v2 =	vadd.s32 $0xB4C00000, v7;
	v9 =	vadd.f32 $1.258291200e+07, v9;
	v7 =	vld.idx.msk [tilespmem:v3+s4+$0x0], $0xffff  }
0x70: {  	v0 =	vadd.s32 $0xB4C00000, v8;
	v13 =	vadd.f32 $1.258291200e+07, v10;
	v8 =	vld.idx.msk [tilespmem:v4+s4+$0x0], $0xffff  }
0x71: {  	v11 =	vadd.f32 $1.258291200e+07, v11;
	v3 =	vadd.s32 $0xB4C00000, v9;
	v9 =	vld.idx.msk [tilespmem:v12+s4+$0x0], $0xffff;
	[tilespmem:s5+$0xFFFFFF90] =	vst v14  }
0x72: {  	s8 =	sadd.s32 $0x80, s8;
	v10 =	vld.idx.msk [tilespmem:v16+s4+$0x0], $0xffff;
	v4 =	vadd.s32 $0xB4C00000, v13;
	[tilespmem:s5+$0xFFFFFFB0] =	vst v15  }
0x73: {  	_ =	sdelay $0x2  }
0x74: {  	[tilespmem:s5+$0xFFFFFFC0] =	vst v5  }
0x75: {  	v11 =	vadd.s32 $0xB4C00000, v11;
	[tilespmem:s5+$0xFFFFFFD0] =	vst v6;
	v1 =	vld.idx.msk [tilespmem:v1+s4+$0x0], $0xffff  }
0x76: {  	v2 =	vld.idx.msk [tilespmem:v2+s4+$0x0], $0xffff;
	[tilespmem:s5+$0xFFFFFFE0] =	vst v7  }
0x77: {  	v0 =	vld.idx.msk [tilespmem:v0+s4+$0x0], $0xffff;
	[tilespmem:s5+$0xFFFFFFF0] =	vst v8  }
0x78: {  	v3 =	vld.idx.msk [tilespmem:v3+s4+$0x0], $0xffff;
	[tilespmem:s6+$0x0] =	vst v9  }
0x79: {  	v4 =	vld.idx.msk [tilespmem:v4+s4+$0x0], $0xffff;
	[tilespmem:s6+$0xFFFFFFA0] =	vst v10  }
0x7a: {  	v63 =	vld.idx.msk [tilespmem:v11+s4+$0x0], $0xffff;
	[tilespmem:s6+$0xFFFFFFB0] =	vst v1  }
0x7b: {  	[tilespmem:s6+$0xFFFFFFC0] =	vst v2  }
0x7c: {  	[tilespmem:s6+$0xFFFFFFD0] =	vst v0  }
0x7d: {  	[tilespmem:s6+$0xFFFFFFE0] =	vst v3  }
0x7e: {  	s2 =	sadd.s32 s3, s2;
	s28 =	simm.s32 $0x0;
	[tilespmem:s6+$0xFFFFFFF0] =	vst v4  }
0x7f: {  	s29 =	simm.s32 $0x600;
	s30 =	simm.s32 $0x1;
	s2 =	sadd.s32 $0x40, s2;
	[tilespmem:s6+$0xFFFFFF90] =	vst v63  }
0x80: {  	[hbm4b:s2+s28] =	stream.linear.scatter [tilespmem:s29], [sflag:$0x2], $0x200, $0x38;
	[tilespmem:$0x800] =	vst v63  }
0x81: {  	_ =	swait.ge [sflag:s30], $0x200  }
0x82: {  	[sflag:s30] =	ssyncset.done $0x0  }
0x83: {  	s31 =	simm.s32 $0x2;
	[sflag:s30] =	ssyncadd.s32 $0xFFFFFE00  }
0x84: {  	_ =	swait.ge [sflag:s31], $0x200  }
0x85: {  	[sflag:s31] =	ssyncset.done $0x0  }
0x86: {  	[sflag:s31] =	ssyncadd.s32 $0xFFFFFE00  }
0x87: {  	_ =	sfence.sel $0x180000  }
0x88: {  	[bflag:$0x0] =	sbarrier.arrive $0xFFFF  }
0x89: {  	p0 =	sne.s32 s1, $0x0;
	_ =	strace $0x90000047  }
0x8a: {  	s0 =	sadd.s32 @!p0 $0x100000, s0;
	[bflag:$0x2] =	sbarrier.arrive $0xFFFF  }
0x8b: {  	[sflag:s0] =	ssyncadd.tile.s32 @!p0 $0x1;
	_ =	shalt  }
.Lfunc_end2:
_tile_overlayer_lowered:
.L_overlay_start_2:
0x8c: {  	(tag) =	ssettag $0x2  }
0x8d: {  	s0 =	rddreg [dreg:$0x0];
	s2 =	stileid.u32  }
0x8e: {  	s1 =	rddreg [dreg:$0x1];
	p0 =	sne.s32 s2, $0x0  }
0x8f: {  	s3 =	rddreg [dreg:$0x2];
	[bflag:$0x3] =	sbarrier.arrive $0xFFFF;
	s2 =	simm.s32 @!p0 $0x1C03  }
0x90: {  	[timem:s3], [sflag:s2] =	dma.local @!p0 [hbm:s0], s1  }
0x91: {  	s0 =	simm.s32 @!p0 $0x3  }
0x92: {  	_ =	swait.ge @!p0 [sflag:s0], s1  }
0x93: {  	s1 =	ssub.s32 @!p0 $0x0, s1;
	[sflag:s0] =	ssyncset.done @!p0 $0x0  }
0x94: {  	[sflag:s0] =	ssyncadd.s32 @!p0 s1  }
0x95: {  	[bflag:$0x3] =	sbarrier.arrive $0xFFFF  }
0x96: {  	_ =	shalt  }

</sc_bundles>
